<compile_context>
chip_gen: v7x
topology: tpu7x:2x2x1
jax: 0.10.2.dev20260603
libtpu: 0.0.44.dev20260713+nightly
codegen_flags: <defaults>
</compile_context>

<pallas_src>
import functools

import jax
import jax.numpy as jnp
from jax import lax
from jax.experimental import pallas as pl
from jax.experimental.pallas import tpu as pltpu
from jax.experimental.pallas import tpu_sc as plsc

NC = 2
NS = 16
NW = NC * NS
L = 16


def _sc_gather_pool(text, emb_weight, total, batch, d):
  tail = total - batch
  per_w_a = batch // NW
  per_w_b = tail // NW
  chunk = 112
  nchunks = per_w_b // chunk
  assert per_w_a * NW == batch and per_w_b * NW == tail
  assert chunk * nchunks == per_w_b and nchunks % 2 == 0
  assert d % L == 0

  mesh = plsc.VectorSubcoreMesh(core_axis_name="c", subcore_axis_name="s")

  @functools.partial(
      pl.kernel,
      out_type=(
          jax.ShapeDtypeStruct((batch, d), jnp.float32),
          jax.ShapeDtypeStruct((NW, d), jnp.float32),
      ),
      mesh=mesh,
      scratch_types=[
          pltpu.VMEM((per_w_a,), jnp.int32),
          pltpu.VMEM((per_w_b,), jnp.int32),
          pltpu.VMEM((per_w_a, d), jnp.float32),
          pltpu.VMEM((chunk, d), jnp.float32),
          pltpu.VMEM((chunk, d), jnp.float32),
          pltpu.VMEM((d,), jnp.float32),
          pltpu.SemaphoreType.DMA,
          pltpu.SemaphoreType.DMA,
          pltpu.SemaphoreType.DMA,
      ],
      compiler_params=pltpu.CompilerParams(use_tc_tiling_on_sc=False),
  )
  def k(text_hbm, table_hbm, pooled_hbm, partial_hbm,
        idx_a, idx_b, rows_a, buf0, buf1, acc, sem_a, sem0, sem1):
    wid = lax.axis_index("s") * NC + lax.axis_index("c")
    base_a = wid * per_w_a
    base_b = batch + wid * per_w_b

    pltpu.sync_copy(text_hbm.at[pl.ds(base_a, per_w_a)], idx_a)
    head_cp = pltpu.make_async_copy(table_hbm.at[idx_a], rows_a, sem_a)
    head_cp.start()

    pltpu.sync_copy(text_hbm.at[pl.ds(base_b, per_w_b)], idx_b)

    def start_gather(c, buf, sem):
      off = pl.multiple_of(c * chunk, 8)
      pltpu.make_async_copy(
          table_hbm.at[idx_b.at[pl.ds(off, chunk)]], buf, sem).start()

    def wait_gather(buf, sem):
      pltpu.make_async_copy(
          table_hbm.at[idx_b.at[pl.ds(0, chunk)]], buf, sem).wait()

    start_gather(0, buf0, sem0)
    start_gather(1, buf1, sem1)

    head_cp.wait()
    pltpu.sync_copy(rows_a, pooled_hbm.at[pl.ds(base_a, per_w_a)])

    for j in range(d // L):
      acc[pl.ds(j * L, L)] = jnp.zeros((L,), jnp.float32)

    @pl.loop(0, nchunks, step=2)
    def _(c):
      for b, (buf, sem) in enumerate(((buf0, sem0), (buf1, sem1))):
        cur = c + b
        wait_gather(buf, sem)

        def row_body(r, carry):
          return tuple(
              carry[j] + buf[r, pl.ds(j * L, L)] for j in range(d // L))
        a = lax.fori_loop(
            0, chunk, row_body,
            tuple(acc[pl.ds(j * L, L)] for j in range(d // L)))
        for j in range(d // L):
          acc[pl.ds(j * L, L)] = a[j]

        @pl.when(cur + 2 < nchunks)
        def _():
          start_gather(cur + 2, buf, sem)

    pltpu.sync_copy(acc, partial_hbm.at[wid])

  return k(text, emb_weight)


def _tc_finish(pooled, partials, fc_weight, fc_bias, count_last):
  batch, d = pooled.shape
  nclass = fc_weight.shape[0]

  def body(pooled_ref, part_ref, w_ref, b_ref, out_ref):
    p = pooled_ref[...]
    w = w_ref[...]
    tail_sum = jnp.sum(part_ref[...], axis=0) + p[batch - 1]
    last_row = tail_sum * (1.0 / count_last)
    logits = lax.dot_general(
        p, w, (((1,), (1,)), ((), ())),
        preferred_element_type=jnp.float32)
    last_logits = lax.dot_general(
        last_row[None, :], w, (((1,), (1,)), ((), ())),
        preferred_element_type=jnp.float32)
    rowid = lax.broadcasted_iota(jnp.int32, (batch, nclass), 0)
    out = jnp.where(rowid == batch - 1, last_logits, logits)
    out_ref[...] = out + b_ref[...][None, :]

  return pl.pallas_call(
      body,
      out_shape=jax.ShapeDtypeStruct((batch, nclass), jnp.float32),
  )(pooled, partials, fc_weight, fc_bias)


@jax.jit
def kernel(text, offsets, emb_weight, fc_weight, fc_bias):
  total = text.shape[0]
  batch = offsets.shape[0]
  d = emb_weight.shape[1]
  pooled, partials = _sc_gather_pool(text, emb_weight, total, batch, d)
  count_last = float(total - batch + 1)
  return _tc_finish(pooled, partials, fc_weight, fc_bias, count_last)

# --- scband reference (transcript-rebuilt; emitter-appended) ---
"""Pipeline reference for scband-text-classification-model-6485400617688 (READ-ONLY COPY).

The authoritative reference and input builder live on the scoring server;
editing this copy changes nothing except your own understanding.
"""

import jax, jax.numpy as jnp
import numpy as np

VOCAB = 1000000
EMBED_DIM = 64
NUM_CLASS = 2
TOTAL_TOKENS = 204800
BATCH = 4096


def setup_inputs(seed: int = 0) -> dict:
    key = jax.random.key(seed)
    k_text, k_emb, k_fcw = jax.random.split(key, 3)
    text = jax.random.randint(k_text, (TOTAL_TOKENS,), 0, VOCAB, dtype=jnp.int32)
    offsets = jnp.arange(BATCH, dtype=jnp.int32)
    initrange = 0.5
    emb_weight = jax.random.uniform(k_emb, (VOCAB, EMBED_DIM), dtype=jnp.float32, minval=-initrange, maxval=initrange)
    fc_weight = jax.random.uniform(k_fcw, (NUM_CLASS, EMBED_DIM), dtype=jnp.float32, minval=-initrange, maxval=initrange)
    fc_bias = jnp.zeros((NUM_CLASS,), dtype=jnp.float32)
    return {"text": text, "offsets": offsets, "emb_weight": emb_weight, "fc_weight": fc_weight, "fc_bias": fc_bias}


def reference(text, offsets, emb_weight, fc_weight, fc_bias):
    total = text.shape[0]
    num_bags = offsets.shape[0]
    # segment id for each token: which bag it belongs to (EmbeddingBag semantics)
    positions = jnp.arange(total, dtype=offsets.dtype)
    segment_ids = jnp.searchsorted(offsets, positions, side='right') - 1
    gathered = jnp.take(emb_weight, text, axis=0)  # [total, embed_dim]
    sums = jax.ops.segment_sum(gathered, segment_ids, num_segments=num_bags)
    counts = jax.ops.segment_sum(jnp.ones((total,), dtype=jnp.float32), segment_ids, num_segments=num_bags)
    counts = jnp.maximum(counts, 1.0)
    pooled = sums / counts[:, None]  # default EmbeddingBag mode='mean'
    out = pooled @ fc_weight.T + fc_bias
    return out

if __name__ == "__main__":
    import jax
    _d = setup_inputs()
    print(jax.jit(kernel)(*tuple(_d.values())))

</pallas_src>

<mosaic_0001>
#map = affine_map<(d0, d1) -> (0)>
#map1 = affine_map<(d0, d1) -> (0, 0)>
module attributes {stable_mosaic.version = 14 : i64} {
  func.func @k(%arg0: i32, %arg1: i32, %arg2: memref<204800xi32, #tpu.memory_space<hbm>>, %arg3: memref<1000000x64xf32, #tpu.memory_space<hbm>>, %arg4: memref<4096x64xf32, #tpu.memory_space<hbm>>, %arg5: memref<32x64xf32, #tpu.memory_space<hbm>>, %arg6: memref<128xi32, #tpu.memory_space<vmem>>, %arg7: memref<6272xi32, #tpu.memory_space<vmem>>, %arg8: memref<128x64xf32, #tpu.memory_space<vmem>>, %arg9: memref<112x64xf32, #tpu.memory_space<vmem>>, %arg10: memref<112x64xf32, #tpu.memory_space<vmem>>, %arg11: memref<64xf32, #tpu.memory_space<vmem>>, %arg12: memref<!tpu.dma_semaphore, #tpu.memory_space<semaphore_mem>>, %arg13: memref<!tpu.dma_semaphore, #tpu.memory_space<semaphore_mem>>, %arg14: memref<!tpu.dma_semaphore, #tpu.memory_space<semaphore_mem>>) attributes {dimension_semantics = [#tpu.dimension_semantics<core_parallel>, #tpu.dimension_semantics<subcore_parallel>], iteration_bounds = array<i64: 2, 16>, scalar_prefetch = 0 : i64, scratch_operands = 9 : i64, tpu.core_type = #tpu.core_type<sc_vector_subcore>, window_params = [{transform_indices = #map}, {transform_indices = #map1}, {transform_indices = #map1}, {transform_indices = #map1}]} {
    %mul3A = arith.constant 2 : i32
    %mul3A_0 = arith.muli %arg1, %mul3A : i32
    %add3A = arith.addi %mul3A_0, %arg0 : i32
    %mul3A_1 = arith.constant 128 : i32
    %mul3A_2 = arith.muli %add3A, %mul3A_1 : i32
    %mul3A_3 = arith.constant 6272 : i32
    %mul3A_4 = arith.muli %add3A, %mul3A_3 : i32
    %add3A_5 = arith.constant 4096 : i32
    %add3A_6 = arith.addi %add3A_5, %mul3A_4 : i32
    "tpu.region"() ({
      %run_scoped3A = tpu.sem_alloc : memref<!tpu.dma_semaphore, #tpu.memory_space<semaphore_mem>>
      %dma_start3A_48 = tpu.memref_slice %arg2[%mul3A_2] : memref<204800xi32, #tpu.memory_space<hbm>> -> memref<128xi32, #tpu.memory_space<hbm>>
      %dma_start3A_49 = tpu.memref_slice %arg2[%mul3A_2] : memref<204800xi32, #tpu.memory_space<hbm>> -> memref<128xi32, #tpu.memory_space<hbm>>
      tpu.enqueue_dma source(%dma_start3A_49 : memref<128xi32, #tpu.memory_space<hbm>>) target(%arg6 : memref<128xi32, #tpu.memory_space<vmem>>) target_semaphore(%run_scoped3A : memref<!tpu.dma_semaphore, #tpu.memory_space<semaphore_mem>>)
      %dma_wait3A_50 = tpu.memref_slice %arg2[%mul3A_2] : memref<204800xi32, #tpu.memory_space<hbm>> -> memref<128xi32, #tpu.memory_space<hbm>>
      %dma_wait3A_51 = tpu.memref_slice %arg2[%mul3A_2] : memref<204800xi32, #tpu.memory_space<hbm>> -> memref<128xi32, #tpu.memory_space<hbm>>
      tpu.wait_dma2 semaphore(%run_scoped3A : memref<!tpu.dma_semaphore, #tpu.memory_space<semaphore_mem>>) src(%dma_wait3A_51 : memref<128xi32, #tpu.memory_space<hbm>>) dst(%arg6 : memref<128xi32, #tpu.memory_space<vmem>>)
      tpu.yield
    }) : () -> ()
    %dma_start3A = arith.constant 0 : i32
    %dma_start3A_7 = arith.constant 0 : i32
    %dma_start3A_8 = tpu.memref_slice %arg3[%dma_start3A, %dma_start3A_7] : memref<1000000x64xf32, #tpu.memory_space<hbm>> -> memref<1000000x64xf32, #tpu.memory_space<hbm>>
    tpu.enqueue_indirect_dma source(%dma_start3A_8 : memref<1000000x64xf32, #tpu.memory_space<hbm>>) target(%arg8 : memref<128x64xf32, #tpu.memory_space<vmem>>) offsets(%arg6 : memref<128xi32, #tpu.memory_space<vmem>>) semaphore(%arg12 : memref<!tpu.dma_semaphore, #tpu.memory_space<semaphore_mem>>)
    "tpu.region"() ({
      %run_scoped3A = tpu.sem_alloc : memref<!tpu.dma_semaphore, #tpu.memory_space<semaphore_mem>>
      %dma_start3A_48 = tpu.memref_slice %arg2[%add3A_6] : memref<204800xi32, #tpu.memory_space<hbm>> -> memref<6272xi32, #tpu.memory_space<hbm>>
      %dma_start3A_49 = tpu.memref_slice %arg2[%add3A_6] : memref<204800xi32, #tpu.memory_space<hbm>> -> memref<6272xi32, #tpu.memory_space<hbm>>
      tpu.enqueue_dma source(%dma_start3A_49 : memref<6272xi32, #tpu.memory_space<hbm>>) target(%arg7 : memref<6272xi32, #tpu.memory_space<vmem>>) target_semaphore(%run_scoped3A : memref<!tpu.dma_semaphore, #tpu.memory_space<semaphore_mem>>)
      %dma_wait3A_50 = tpu.memref_slice %arg2[%add3A_6] : memref<204800xi32, #tpu.memory_space<hbm>> -> memref<6272xi32, #tpu.memory_space<hbm>>
      %dma_wait3A_51 = tpu.memref_slice %arg2[%add3A_6] : memref<204800xi32, #tpu.memory_space<hbm>> -> memref<6272xi32, #tpu.memory_space<hbm>>
      tpu.wait_dma2 semaphore(%run_scoped3A : memref<!tpu.dma_semaphore, #tpu.memory_space<semaphore_mem>>) src(%dma_wait3A_51 : memref<6272xi32, #tpu.memory_space<hbm>>) dst(%arg7 : memref<6272xi32, #tpu.memory_space<vmem>>)
      tpu.yield
    }) : () -> ()
    %multiple_of3A = arith.constant 0 : i32
    %multiple_of3A_9 = tpu.assume_multiple %multiple_of3A, 8 : i32
    %dma_start3A_10 = tpu.memref_slice %arg7[%multiple_of3A_9] : memref<6272xi32, #tpu.memory_space<vmem>> -> memref<112xi32, #tpu.memory_space<vmem>>
    %dma_start3A_11 = arith.constant 0 : i32
    %dma_start3A_12 = arith.constant 0 : i32
    %dma_start3A_13 = tpu.memref_slice %arg3[%dma_start3A_11, %dma_start3A_12] : memref<1000000x64xf32, #tpu.memory_space<hbm>> -> memref<1000000x64xf32, #tpu.memory_space<hbm>>
    tpu.enqueue_indirect_dma source(%dma_start3A_13 : memref<1000000x64xf32, #tpu.memory_space<hbm>>) target(%arg9 : memref<112x64xf32, #tpu.memory_space<vmem>>) offsets(%dma_start3A_10 : memref<112xi32, #tpu.memory_space<vmem>>) semaphore(%arg13 : memref<!tpu.dma_semaphore, #tpu.memory_space<semaphore_mem>>)
    %multiple_of3A_14 = arith.constant 112 : i32
    %multiple_of3A_15 = tpu.assume_multiple %multiple_of3A_14, 8 : i32
    %dma_start3A_16 = tpu.memref_slice %arg7[%multiple_of3A_15] : memref<6272xi32, #tpu.memory_space<vmem>> -> memref<112xi32, #tpu.memory_space<vmem>>
    %dma_start3A_17 = arith.constant 0 : i32
    %dma_start3A_18 = arith.constant 0 : i32
    %dma_start3A_19 = tpu.memref_slice %arg3[%dma_start3A_17, %dma_start3A_18] : memref<1000000x64xf32, #tpu.memory_space<hbm>> -> memref<1000000x64xf32, #tpu.memory_space<hbm>>
    tpu.enqueue_indirect_dma source(%dma_start3A_19 : memref<1000000x64xf32, #tpu.memory_space<hbm>>) target(%arg10 : memref<112x64xf32, #tpu.memory_space<vmem>>) offsets(%dma_start3A_16 : memref<112xi32, #tpu.memory_space<vmem>>) semaphore(%arg14 : memref<!tpu.dma_semaphore, #tpu.memory_space<semaphore_mem>>)
    %dma_wait3A = arith.constant 0 : i32
    %dma_wait3A_20 = arith.constant 0 : i32
    %dma_wait3A_21 = tpu.memref_slice %arg3[%dma_wait3A, %dma_wait3A_20] : memref<1000000x64xf32, #tpu.memory_space<hbm>> -> memref<1000000x64xf32, #tpu.memory_space<hbm>>
    tpu.wait_indirect_dma semaphore(%arg12 : memref<!tpu.dma_semaphore, #tpu.memory_space<semaphore_mem>>) src(%dma_wait3A_21 : memref<1000000x64xf32, #tpu.memory_space<hbm>>) dst(%arg8 : memref<128x64xf32, #tpu.memory_space<vmem>>)
    "tpu.region"() ({
      %run_scoped3A = tpu.sem_alloc : memref<!tpu.dma_semaphore, #tpu.memory_space<semaphore_mem>>
      %dma_start3A_48 = arith.constant 0 : i32
      %dma_start3A_49 = tpu.memref_slice %arg4[%mul3A_2, %dma_start3A_48] : memref<4096x64xf32, #tpu.memory_space<hbm>> -> memref<128x64xf32, #tpu.memory_space<hbm>>
      %dma_start3A_50 = arith.constant 0 : i32
      %dma_start3A_51 = tpu.memref_slice %arg4[%mul3A_2, %dma_start3A_50] : memref<4096x64xf32, #tpu.memory_space<hbm>> -> memref<128x64xf32, #tpu.memory_space<hbm>>
      tpu.enqueue_dma source(%arg8 : memref<128x64xf32, #tpu.memory_space<vmem>>) target(%dma_start3A_51 : memref<128x64xf32, #tpu.memory_space<hbm>>) target_semaphore(%run_scoped3A : memref<!tpu.dma_semaphore, #tpu.memory_space<semaphore_mem>>)
      %dma_wait3A_52 = arith.constant 0 : i32
      %dma_wait3A_53 = tpu.memref_slice %arg4[%mul3A_2, %dma_wait3A_52] : memref<4096x64xf32, #tpu.memory_space<hbm>> -> memref<128x64xf32, #tpu.memory_space<hbm>>
      %dma_wait3A_54 = arith.constant 0 : i32
      %dma_wait3A_55 = tpu.memref_slice %arg4[%mul3A_2, %dma_wait3A_54] : memref<4096x64xf32, #tpu.memory_space<hbm>> -> memref<128x64xf32, #tpu.memory_space<hbm>>
      tpu.wait_dma2 semaphore(%run_scoped3A : memref<!tpu.dma_semaphore, #tpu.memory_space<semaphore_mem>>) src(%arg8 : memref<128x64xf32, #tpu.memory_space<vmem>>) dst(%dma_wait3A_55 : memref<128x64xf32, #tpu.memory_space<hbm>>)
      tpu.yield
    }) : () -> ()
    %broadcast_in_dim3A = arith.constant 0.000000e+00 : f32
    %broadcast_in_dim3A_22 = vector.broadcast %broadcast_in_dim3A : f32 to vector<16xf32>
    %swap3A = arith.constant 0 : index
    %swap3A_23 = tpu.vector_load %arg11[%swap3A] {strides = array<i32>} : memref<64xf32, #tpu.memory_space<vmem>>, vector<16xf32>,
    %swap3A_24 = vector.shape_cast %swap3A_23 : vector<16xf32> to vector<16xf32>
    %swap3A_25 = vector.shape_cast %broadcast_in_dim3A_22 : vector<16xf32> to vector<16xf32>
    tpu.vector_store %arg11[%swap3A], %swap3A_25 {strides = array<i32>} : memref<64xf32, #tpu.memory_space<vmem>>, vector<16xf32>,
    %broadcast_in_dim3A_26 = arith.constant 0.000000e+00 : f32
    %broadcast_in_dim3A_27 = vector.broadcast %broadcast_in_dim3A_26 : f32 to vector<16xf32>
    %swap3A_28 = arith.constant 16 : index
    %swap3A_29 = tpu.vector_load %arg11[%swap3A_28] {strides = array<i32>} : memref<64xf32, #tpu.memory_space<vmem>>, vector<16xf32>,
    %swap3A_30 = vector.shape_cast %swap3A_29 : vector<16xf32> to vector<16xf32>
    %swap3A_31 = vector.shape_cast %broadcast_in_dim3A_27 : vector<16xf32> to vector<16xf32>
    tpu.vector_store %arg11[%swap3A_28], %swap3A_31 {strides = array<i32>} : memref<64xf32, #tpu.memory_space<vmem>>, vector<16xf32>,
    %broadcast_in_dim3A_32 = arith.constant 0.000000e+00 : f32
    %broadcast_in_dim3A_33 = vector.broadcast %broadcast_in_dim3A_32 : f32 to vector<16xf32>
    %swap3A_34 = arith.constant 32 : index
    %swap3A_35 = tpu.vector_load %arg11[%swap3A_34] {strides = array<i32>} : memref<64xf32, #tpu.memory_space<vmem>>, vector<16xf32>,
    %swap3A_36 = vector.shape_cast %swap3A_35 : vector<16xf32> to vector<16xf32>
    %swap3A_37 = vector.shape_cast %broadcast_in_dim3A_33 : vector<16xf32> to vector<16xf32>
    tpu.vector_store %arg11[%swap3A_34], %swap3A_37 {strides = array<i32>} : memref<64xf32, #tpu.memory_space<vmem>>, vector<16xf32>,
    %broadcast_in_dim3A_38 = arith.constant 0.000000e+00 : f32
    %broadcast_in_dim3A_39 = vector.broadcast %broadcast_in_dim3A_38 : f32 to vector<16xf32>
    %swap3A_40 = arith.constant 48 : index
    %swap3A_41 = tpu.vector_load %arg11[%swap3A_40] {strides = array<i32>} : memref<64xf32, #tpu.memory_space<vmem>>, vector<16xf32>,
    %swap3A_42 = vector.shape_cast %swap3A_41 : vector<16xf32> to vector<16xf32>
    %swap3A_43 = vector.shape_cast %broadcast_in_dim3A_39 : vector<16xf32> to vector<16xf32>
    tpu.vector_store %arg11[%swap3A_40], %swap3A_43 {strides = array<i32>} : memref<64xf32, #tpu.memory_space<vmem>>, vector<16xf32>,
    %scan3A = arith.constant 0 : i32
    %scan3A_44 = arith.constant 28 : i32
    %scan3A_45 = arith.addi %scan3A, %scan3A_44 : i32
    %scan3A_46 = arith.constant 1 : i32
    scf.for %scan3A_48 = %scan3A to %scan3A_45 step %scan3A_46  : i32 {
      %mul3A_49 = arith.constant 2 : i32
      %mul3A_50 = arith.muli %scan3A_48, %mul3A_49 : i32
      %add3A_51 = arith.constant 0 : i32
      %add3A_52 = arith.addi %add3A_51, %mul3A_50 : i32
      %add3A_53 = arith.constant 0 : i32
      %add3A_54 = arith.addi %add3A_52, %add3A_53 : i32
      %dma_wait3A_55 = arith.constant 0 : i32
      %dma_wait3A_56 = tpu.memref_slice %arg7[%dma_wait3A_55] : memref<6272xi32, #tpu.memory_space<vmem>> -> memref<112xi32, #tpu.memory_space<vmem>>
      %dma_wait3A_57 = arith.constant 0 : i32
      %dma_wait3A_58 = arith.constant 0 : i32
      %dma_wait3A_59 = tpu.memref_slice %arg3[%dma_wait3A_57, %dma_wait3A_58] : memref<1000000x64xf32, #tpu.memory_space<hbm>> -> memref<1000000x64xf32, #tpu.memory_space<hbm>>
      tpu.wait_indirect_dma semaphore(%arg13 : memref<!tpu.dma_semaphore, #tpu.memory_space<semaphore_mem>>) src(%dma_wait3A_59 : memref<1000000x64xf32, #tpu.memory_space<hbm>>) dst(%arg9 : memref<112x64xf32, #tpu.memory_space<vmem>>)
      %get3A = arith.constant 0 : index
      %get3A_60 = tpu.vector_load %arg11[%get3A] {strides = array<i32>} : memref<64xf32, #tpu.memory_space<vmem>>, vector<16xf32>,
      %get3A_61 = vector.shape_cast %get3A_60 : vector<16xf32> to vector<16xf32>
      %get3A_62 = arith.constant 16 : index
      %get3A_63 = tpu.vector_load %arg11[%get3A_62] {strides = array<i32>} : memref<64xf32, #tpu.memory_space<vmem>>, vector<16xf32>,
      %get3A_64 = vector.shape_cast %get3A_63 : vector<16xf32> to vector<16xf32>
      %get3A_65 = arith.constant 32 : index
      %get3A_66 = tpu.vector_load %arg11[%get3A_65] {strides = array<i32>} : memref<64xf32, #tpu.memory_space<vmem>>, vector<16xf32>,
      %get3A_67 = vector.shape_cast %get3A_66 : vector<16xf32> to vector<16xf32>
      %get3A_68 = arith.constant 48 : index
      %get3A_69 = tpu.vector_load %arg11[%get3A_68] {strides = array<i32>} : memref<64xf32, #tpu.memory_space<vmem>>, vector<16xf32>,
      %get3A_70 = vector.shape_cast %get3A_69 : vector<16xf32> to vector<16xf32>
      %scan3A_71 = arith.constant 0 : i32
      %scan3A_72 = arith.constant 112 : i32
      %scan3A_73 = arith.addi %scan3A_71, %scan3A_72 : i32
      %scan3A_74 = arith.constant 1 : i32
      %scan3A_75:4 = scf.for %scan3A_145 = %scan3A_71 to %scan3A_73 step %scan3A_74 iter_args(%scan3A_146 = %get3A_61, %scan3A_147 = %get3A_64, %scan3A_148 = %get3A_67, %scan3A_149 = %get3A_70) -> (vector<16xf32>, vector<16xf32>, vector<16xf32>, vector<16xf32>)  : i32 {
        %get3A_150 = arith.index_cast %scan3A_145 : i32 to index
        %get3A_151 = arith.constant 0 : index
        %get3A_152 = tpu.vector_load %arg9[%get3A_150, %get3A_151] {strides = array<i32>} : memref<112x64xf32, #tpu.memory_space<vmem>>, vector<1x16xf32>,
        %get3A_153 = vector.shape_cast %get3A_152 : vector<1x16xf32> to vector<16xf32>
        %add3A_154 = arith.addf %scan3A_146, %get3A_153 : vector<16xf32>
        %get3A_155 = arith.index_cast %scan3A_145 : i32 to index
        %get3A_156 = arith.constant 16 : index
        %get3A_157 = tpu.vector_load %arg9[%get3A_155, %get3A_156] {strides = array<i32>} : memref<112x64xf32, #tpu.memory_space<vmem>>, vector<1x16xf32>,
        %get3A_158 = vector.shape_cast %get3A_157 : vector<1x16xf32> to vector<16xf32>
        %add3A_159 = arith.addf %scan3A_147, %get3A_158 : vector<16xf32>
        %get3A_160 = arith.index_cast %scan3A_145 : i32 to index
        %get3A_161 = arith.constant 32 : index
        %get3A_162 = tpu.vector_load %arg9[%get3A_160, %get3A_161] {strides = array<i32>} : memref<112x64xf32, #tpu.memory_space<vmem>>, vector<1x16xf32>,
        %get3A_163 = vector.shape_cast %get3A_162 : vector<1x16xf32> to vector<16xf32>
        %add3A_164 = arith.addf %scan3A_148, %get3A_163 : vector<16xf32>
        %get3A_165 = arith.index_cast %scan3A_145 : i32 to index
        %get3A_166 = arith.constant 48 : index
        %get3A_167 = tpu.vector_load %arg9[%get3A_165, %get3A_166] {strides = array<i32>} : memref<112x64xf32, #tpu.memory_space<vmem>>, vector<1x16xf32>,
        %get3A_168 = vector.shape_cast %get3A_167 : vector<1x16xf32> to vector<16xf32>
        %add3A_169 = arith.addf %scan3A_149, %get3A_168 : vector<16xf32>
        scf.yield %add3A_154, %add3A_159, %add3A_164, %add3A_169 : vector<16xf32>, vector<16xf32>, vector<16xf32>, vector<16xf32>
      }
      %scan3A_76 = arith.constant 112 : i32
      %swap3A_77 = arith.constant 0 : index
      %swap3A_78 = tpu.vector_load %arg11[%swap3A_77] {strides = array<i32>} : memref<64xf32, #tpu.memory_space<vmem>>, vector<16xf32>,
      %swap3A_79 = vector.shape_cast %swap3A_78 : vector<16xf32> to vector<16xf32>
      %swap3A_80 = vector.shape_cast %scan3A_75#0 : vector<16xf32> to vector<16xf32>
      tpu.vector_store %arg11[%swap3A_77], %swap3A_80 {strides = array<i32>} : memref<64xf32, #tpu.memory_space<vmem>>, vector<16xf32>,
      %swap3A_81 = arith.constant 16 : index
      %swap3A_82 = tpu.vector_load %arg11[%swap3A_81] {strides = array<i32>} : memref<64xf32, #tpu.memory_space<vmem>>, vector<16xf32>,
      %swap3A_83 = vector.shape_cast %swap3A_82 : vector<16xf32> to vector<16xf32>
      %swap3A_84 = vector.shape_cast %scan3A_75#1 : vector<16xf32> to vector<16xf32>
      tpu.vector_store %arg11[%swap3A_81], %swap3A_84 {strides = array<i32>} : memref<64xf32, #tpu.memory_space<vmem>>, vector<16xf32>,
      %swap3A_85 = arith.constant 32 : index
      %swap3A_86 = tpu.vector_load %arg11[%swap3A_85] {strides = array<i32>} : memref<64xf32, #tpu.memory_space<vmem>>, vector<16xf32>,
      %swap3A_87 = vector.shape_cast %swap3A_86 : vector<16xf32> to vector<16xf32>
      %swap3A_88 = vector.shape_cast %scan3A_75#2 : vector<16xf32> to vector<16xf32>
      tpu.vector_store %arg11[%swap3A_85], %swap3A_88 {strides = array<i32>} : memref<64xf32, #tpu.memory_space<vmem>>, vector<16xf32>,
      %swap3A_89 = arith.constant 48 : index
      %swap3A_90 = tpu.vector_load %arg11[%swap3A_89] {strides = array<i32>} : memref<64xf32, #tpu.memory_space<vmem>>, vector<16xf32>,
      %swap3A_91 = vector.shape_cast %swap3A_90 : vector<16xf32> to vector<16xf32>
      %swap3A_92 = vector.shape_cast %scan3A_75#3 : vector<16xf32> to vector<16xf32>
      tpu.vector_store %arg11[%swap3A_89], %swap3A_92 {strides = array<i32>} : memref<64xf32, #tpu.memory_space<vmem>>, vector<16xf32>,
      %add3A_93 = arith.constant 2 : i32
      %add3A_94 = arith.addi %add3A_54, %add3A_93 : i32
      %lt3A = arith.constant 56 : i32
      %lt3A_95 = arith.cmpi slt, %add3A_94, %lt3A : i32
      %convert_element_type3A = arith.extui %lt3A_95 : i1 to i32
      %cond3A = arith.constant 0 : i32
      %cond3A_96 = arith.cmpi ne, %convert_element_type3A, %cond3A : i32
      scf.if %cond3A_96 {
        %add3A_145 = arith.constant 2 : i32
        %add3A_146 = arith.addi %add3A_54, %add3A_145 : i32
        %mul3A_147 = arith.constant 112 : i32
        %mul3A_148 = arith.muli %add3A_146, %mul3A_147 : i32
        %multiple_of3A_149 = tpu.assume_multiple %mul3A_148, 8 : i32
        %dma_start3A_150 = tpu.memref_slice %arg7[%multiple_of3A_149] : memref<6272xi32, #tpu.memory_space<vmem>> -> memref<112xi32, #tpu.memory_space<vmem>>
        %dma_start3A_151 = arith.constant 0 : i32
        %dma_start3A_152 = arith.constant 0 : i32
        %dma_start3A_153 = tpu.memref_slice %arg3[%dma_start3A_151, %dma_start3A_152] : memref<1000000x64xf32, #tpu.memory_space<hbm>> -> memref<1000000x64xf32, #tpu.memory_space<hbm>>
        tpu.enqueue_indirect_dma source(%dma_start3A_153 : memref<1000000x64xf32, #tpu.memory_space<hbm>>) target(%arg9 : memref<112x64xf32, #tpu.memory_space<vmem>>) offsets(%dma_start3A_150 : memref<112xi32, #tpu.memory_space<vmem>>) semaphore(%arg13 : memref<!tpu.dma_semaphore, #tpu.memory_space<semaphore_mem>>)
      } else {
      }
      %add3A_97 = arith.constant 1 : i32
      %add3A_98 = arith.addi %add3A_52, %add3A_97 : i32
      %dma_wait3A_99 = arith.constant 0 : i32
      %dma_wait3A_100 = tpu.memref_slice %arg7[%dma_wait3A_99] : memref<6272xi32, #tpu.memory_space<vmem>> -> memref<112xi32, #tpu.memory_space<vmem>>
      %dma_wait3A_101 = arith.constant 0 : i32
      %dma_wait3A_102 = arith.constant 0 : i32
      %dma_wait3A_103 = tpu.memref_slice %arg3[%dma_wait3A_101, %dma_wait3A_102] : memref<1000000x64xf32, #tpu.memory_space<hbm>> -> memref<1000000x64xf32, #tpu.memory_space<hbm>>
      tpu.wait_indirect_dma semaphore(%arg14 : memref<!tpu.dma_semaphore, #tpu.memory_space<semaphore_mem>>) src(%dma_wait3A_103 : memref<1000000x64xf32, #tpu.memory_space<hbm>>) dst(%arg10 : memref<112x64xf32, #tpu.memory_space<vmem>>)
      %get3A_104 = arith.constant 0 : index
      %get3A_105 = tpu.vector_load %arg11[%get3A_104] {strides = array<i32>} : memref<64xf32, #tpu.memory_space<vmem>>, vector<16xf32>,
      %get3A_106 = vector.shape_cast %get3A_105 : vector<16xf32> to vector<16xf32>
      %get3A_107 = arith.constant 16 : index
      %get3A_108 = tpu.vector_load %arg11[%get3A_107] {strides = array<i32>} : memref<64xf32, #tpu.memory_space<vmem>>, vector<16xf32>,
      %get3A_109 = vector.shape_cast %get3A_108 : vector<16xf32> to vector<16xf32>
      %get3A_110 = arith.constant 32 : index
      %get3A_111 = tpu.vector_load %arg11[%get3A_110] {strides = array<i32>} : memref<64xf32, #tpu.memory_space<vmem>>, vector<16xf32>,
      %get3A_112 = vector.shape_cast %get3A_111 : vector<16xf32> to vector<16xf32>
      %get3A_113 = arith.constant 48 : index
      %get3A_114 = tpu.vector_load %arg11[%get3A_113] {strides = array<i32>} : memref<64xf32, #tpu.memory_space<vmem>>, vector<16xf32>,
      %get3A_115 = vector.shape_cast %get3A_114 : vector<16xf32> to vector<16xf32>
      %scan3A_116 = arith.constant 0 : i32
      %scan3A_117 = arith.constant 112 : i32
      %scan3A_118 = arith.addi %scan3A_116, %scan3A_117 : i32
      %scan3A_119 = arith.constant 1 : i32
      %scan3A_120:4 = scf.for %scan3A_145 = %scan3A_116 to %scan3A_118 step %scan3A_119 iter_args(%scan3A_146 = %get3A_106, %scan3A_147 = %get3A_109, %scan3A_148 = %get3A_112, %scan3A_149 = %get3A_115) -> (vector<16xf32>, vector<16xf32>, vector<16xf32>, vector<16xf32>)  : i32 {
        %get3A_150 = arith.index_cast %scan3A_145 : i32 to index
        %get3A_151 = arith.constant 0 : index
        %get3A_152 = tpu.vector_load %arg10[%get3A_150, %get3A_151] {strides = array<i32>} : memref<112x64xf32, #tpu.memory_space<vmem>>, vector<1x16xf32>,
        %get3A_153 = vector.shape_cast %get3A_152 : vector<1x16xf32> to vector<16xf32>
        %add3A_154 = arith.addf %scan3A_146, %get3A_153 : vector<16xf32>
        %get3A_155 = arith.index_cast %scan3A_145 : i32 to index
        %get3A_156 = arith.constant 16 : index
        %get3A_157 = tpu.vector_load %arg10[%get3A_155, %get3A_156] {strides = array<i32>} : memref<112x64xf32, #tpu.memory_space<vmem>>, vector<1x16xf32>,
        %get3A_158 = vector.shape_cast %get3A_157 : vector<1x16xf32> to vector<16xf32>
        %add3A_159 = arith.addf %scan3A_147, %get3A_158 : vector<16xf32>
        %get3A_160 = arith.index_cast %scan3A_145 : i32 to index
        %get3A_161 = arith.constant 32 : index
        %get3A_162 = tpu.vector_load %arg10[%get3A_160, %get3A_161] {strides = array<i32>} : memref<112x64xf32, #tpu.memory_space<vmem>>, vector<1x16xf32>,
        %get3A_163 = vector.shape_cast %get3A_162 : vector<1x16xf32> to vector<16xf32>
        %add3A_164 = arith.addf %scan3A_148, %get3A_163 : vector<16xf32>
        %get3A_165 = arith.index_cast %scan3A_145 : i32 to index
        %get3A_166 = arith.constant 48 : index
        %get3A_167 = tpu.vector_load %arg10[%get3A_165, %get3A_166] {strides = array<i32>} : memref<112x64xf32, #tpu.memory_space<vmem>>, vector<1x16xf32>,
        %get3A_168 = vector.shape_cast %get3A_167 : vector<1x16xf32> to vector<16xf32>
        %add3A_169 = arith.addf %scan3A_149, %get3A_168 : vector<16xf32>
        scf.yield %add3A_154, %add3A_159, %add3A_164, %add3A_169 : vector<16xf32>, vector<16xf32>, vector<16xf32>, vector<16xf32>
      }
      %scan3A_121 = arith.constant 112 : i32
      %swap3A_122 = arith.constant 0 : index
      %swap3A_123 = tpu.vector_load %arg11[%swap3A_122] {strides = array<i32>} : memref<64xf32, #tpu.memory_space<vmem>>, vector<16xf32>,
      %swap3A_124 = vector.shape_cast %swap3A_123 : vector<16xf32> to vector<16xf32>
      %swap3A_125 = vector.shape_cast %scan3A_120#0 : vector<16xf32> to vector<16xf32>
      tpu.vector_store %arg11[%swap3A_122], %swap3A_125 {strides = array<i32>} : memref<64xf32, #tpu.memory_space<vmem>>, vector<16xf32>,
      %swap3A_126 = arith.constant 16 : index
      %swap3A_127 = tpu.vector_load %arg11[%swap3A_126] {strides = array<i32>} : memref<64xf32, #tpu.memory_space<vmem>>, vector<16xf32>,
      %swap3A_128 = vector.shape_cast %swap3A_127 : vector<16xf32> to vector<16xf32>
      %swap3A_129 = vector.shape_cast %scan3A_120#1 : vector<16xf32> to vector<16xf32>
      tpu.vector_store %arg11[%swap3A_126], %swap3A_129 {strides = array<i32>} : memref<64xf32, #tpu.memory_space<vmem>>, vector<16xf32>,
      %swap3A_130 = arith.constant 32 : index
      %swap3A_131 = tpu.vector_load %arg11[%swap3A_130] {strides = array<i32>} : memref<64xf32, #tpu.memory_space<vmem>>, vector<16xf32>,
      %swap3A_132 = vector.shape_cast %swap3A_131 : vector<16xf32> to vector<16xf32>
      %swap3A_133 = vector.shape_cast %scan3A_120#2 : vector<16xf32> to vector<16xf32>
      tpu.vector_store %arg11[%swap3A_130], %swap3A_133 {strides = array<i32>} : memref<64xf32, #tpu.memory_space<vmem>>, vector<16xf32>,
      %swap3A_134 = arith.constant 48 : index
      %swap3A_135 = tpu.vector_load %arg11[%swap3A_134] {strides = array<i32>} : memref<64xf32, #tpu.memory_space<vmem>>, vector<16xf32>,
      %swap3A_136 = vector.shape_cast %swap3A_135 : vector<16xf32> to vector<16xf32>
      %swap3A_137 = vector.shape_cast %scan3A_120#3 : vector<16xf32> to vector<16xf32>
      tpu.vector_store %arg11[%swap3A_134], %swap3A_137 {strides = array<i32>} : memref<64xf32, #tpu.memory_space<vmem>>, vector<16xf32>,
      %add3A_138 = arith.constant 2 : i32
      %add3A_139 = arith.addi %add3A_98, %add3A_138 : i32
      %lt3A_140 = arith.constant 56 : i32
      %lt3A_141 = arith.cmpi slt, %add3A_139, %lt3A_140 : i32
      %convert_element_type3A_142 = arith.extui %lt3A_141 : i1 to i32
      %cond3A_143 = arith.constant 0 : i32
      %cond3A_144 = arith.cmpi ne, %convert_element_type3A_142, %cond3A_143 : i32
      scf.if %cond3A_144 {
        %add3A_145 = arith.constant 2 : i32
        %add3A_146 = arith.addi %add3A_98, %add3A_145 : i32
        %mul3A_147 = arith.constant 112 : i32
        %mul3A_148 = arith.muli %add3A_146, %mul3A_147 : i32
        %multiple_of3A_149 = tpu.assume_multiple %mul3A_148, 8 : i32
        %dma_start3A_150 = tpu.memref_slice %arg7[%multiple_of3A_149] : memref<6272xi32, #tpu.memory_space<vmem>> -> memref<112xi32, #tpu.memory_space<vmem>>
        %dma_start3A_151 = arith.constant 0 : i32
        %dma_start3A_152 = arith.constant 0 : i32
        %dma_start3A_153 = tpu.memref_slice %arg3[%dma_start3A_151, %dma_start3A_152] : memref<1000000x64xf32, #tpu.memory_space<hbm>> -> memref<1000000x64xf32, #tpu.memory_space<hbm>>
        tpu.enqueue_indirect_dma source(%dma_start3A_153 : memref<1000000x64xf32, #tpu.memory_space<hbm>>) target(%arg10 : memref<112x64xf32, #tpu.memory_space<vmem>>) offsets(%dma_start3A_150 : memref<112xi32, #tpu.memory_space<vmem>>) semaphore(%arg14 : memref<!tpu.dma_semaphore, #tpu.memory_space<semaphore_mem>>)
      } else {
      }
    }
    %scan3A_47 = arith.constant 28 : i32
    "tpu.region"() ({
      %run_scoped3A = tpu.sem_alloc : memref<!tpu.dma_semaphore, #tpu.memory_space<semaphore_mem>>
      %dma_start3A_48 = arith.constant 0 : i32
      %dma_start3A_49 = tpu.memref_slice %arg5[%add3A, %dma_start3A_48] : memref<32x64xf32, #tpu.memory_space<hbm>> -> memref<1x64xf32, #tpu.memory_space<hbm>>
      %dma_start3A_50 = tpu.memref_squeeze %dma_start3A_49 : memref<1x64xf32, #tpu.memory_space<hbm>> -> memref<64xf32, #tpu.memory_space<hbm>>
      %dma_start3A_51 = arith.constant 0 : i32
      %dma_start3A_52 = tpu.memref_slice %arg5[%add3A, %dma_start3A_51] : memref<32x64xf32, #tpu.memory_space<hbm>> -> memref<1x64xf32, #tpu.memory_space<hbm>>
      %dma_start3A_53 = tpu.memref_squeeze %dma_start3A_52 : memref<1x64xf32, #tpu.memory_space<hbm>> -> memref<64xf32, #tpu.memory_space<hbm>>
      tpu.enqueue_dma source(%arg11 : memref<64xf32, #tpu.memory_space<vmem>>) target(%dma_start3A_53 : memref<64xf32, #tpu.memory_space<hbm>>) target_semaphore(%run_scoped3A : memref<!tpu.dma_semaphore, #tpu.memory_space<semaphore_mem>>)
      %dma_wait3A_54 = arith.constant 0 : i32
      %dma_wait3A_55 = tpu.memref_slice %arg5[%add3A, %dma_wait3A_54] : memref<32x64xf32, #tpu.memory_space<hbm>> -> memref<1x64xf32, #tpu.memory_space<hbm>>
      %dma_wait3A_56 = tpu.memref_squeeze %dma_wait3A_55 : memref<1x64xf32, #tpu.memory_space<hbm>> -> memref<64xf32, #tpu.memory_space<hbm>>
      %dma_wait3A_57 = arith.constant 0 : i32
      %dma_wait3A_58 = tpu.memref_slice %arg5[%add3A, %dma_wait3A_57] : memref<32x64xf32, #tpu.memory_space<hbm>> -> memref<1x64xf32, #tpu.memory_space<hbm>>
      %dma_wait3A_59 = tpu.memref_squeeze %dma_wait3A_58 : memref<1x64xf32, #tpu.memory_space<hbm>> -> memref<64xf32, #tpu.memory_space<hbm>>
      tpu.wait_dma2 semaphore(%run_scoped3A : memref<!tpu.dma_semaphore, #tpu.memory_space<semaphore_mem>>) src(%arg11 : memref<64xf32, #tpu.memory_space<vmem>>) dst(%dma_wait3A_59 : memref<64xf32, #tpu.memory_space<hbm>>)
      tpu.yield
    }) : () -> ()
    return
  }
}

module attributes {stable_mosaic.version = 14 : i64} {
  func.func @body(%arg0: memref<4096x64xf32, #tpu.memory_space<vmem>>, %arg1: memref<32x64xf32, #tpu.memory_space<vmem>>, %arg2: memref<2x64xf32, #tpu.memory_space<vmem>>, %arg3: memref<2xf32, #tpu.memory_space<vmem>>, %arg4: memref<4096x2xf32, #tpu.memory_space<vmem>>) attributes {dimension_semantics = [], scalar_prefetch = 0 : i64, scratch_operands = 0 : i64, tpu.core_type = #tpu.core_type<tc>} {
    %get3A = arith.constant 0 : index
    %get3A_0 = arith.constant 0 : index
    %get3A_1 = vector.load %arg0[%get3A, %get3A_0] : memref<4096x64xf32, #tpu.memory_space<vmem>>, vector<4096x64xf32>
    %get3A_2 = arith.constant 0 : index
    %get3A_3 = arith.constant 0 : index
    %get3A_4 = vector.load %arg2[%get3A_2, %get3A_3] : memref<2x64xf32, #tpu.memory_space<vmem>>, vector<2x64xf32>
    %get3A_5 = arith.constant 0 : index
    %get3A_6 = arith.constant 0 : index
    %get3A_7 = vector.load %arg1[%get3A_5, %get3A_6] : memref<32x64xf32, #tpu.memory_space<vmem>>, vector<32x64xf32>
    %reduce_sum3A = arith.constant dense<0.000000e+00> : vector<64xf32>
    %reduce_sum3A_8 = vector.multi_reduction <add>, %get3A_7, %reduce_sum3A [0] : vector<32x64xf32> to vector<64xf32>
    %slice3A = vector.extract_strided_slice %get3A_1 {offsets = [4095, 0], sizes = [1, 64], strides = [1, 1]} : vector<4096x64xf32> to vector<1x64xf32>
    %squeeze3A = vector.shape_cast %slice3A : vector<1x64xf32> to vector<64xf32>
    %add3A = arith.addf %reduce_sum3A_8, %squeeze3A : vector<64xf32>
    %mul3A = arith.constant 4.98243708E-6 : f32
    %mul3A_9 = vector.broadcast %mul3A : f32 to vector<64xf32>
    %mul3A_10 = arith.mulf %add3A, %mul3A_9 : vector<64xf32>
    %dot_general3A = arith.constant dense<0.000000e+00> : vector<4096x2xf32>
    %dot_general3A_11 = tpu.matmul %get3A_1, %get3A_4, %dot_general3A {dimension_numbers = #tpu.dot_dimension_numbers<[1], [1], [0], [0], [0, 0, 1, 0], [], []>, transpose_lhs_hint = false} : vector<4096x64xf32>, vector<2x64xf32>, vector<4096x2xf32> -> vector<4096x2xf32>
    %broadcast_in_dim3A = vector.shape_cast %mul3A_10 : vector<64xf32> to vector<1x64xf32>
    %dot_general3A_12 = arith.constant dense<0.000000e+00> : vector<1x2xf32>
    %dot_general3A_13 = tpu.matmul %broadcast_in_dim3A, %get3A_4, %dot_general3A_12 {dimension_numbers = #tpu.dot_dimension_numbers<[1], [1], [0], [0], [0, 0, 1, 0], [], []>, transpose_lhs_hint = false} : vector<1x64xf32>, vector<2x64xf32>, vector<1x2xf32> -> vector<1x2xf32>
    %iota3A = tpu.iota {dimensions = array<i32: 0>} : vector<4096x2xi32>
    %eq3A = arith.constant 4095 : i32
    %eq3A_14 = vector.broadcast %eq3A : i32 to vector<4096x2xi32>
    %eq3A_15 = arith.cmpi eq, %iota3A, %eq3A_14 : vector<4096x2xi32>
    %broadcast_in_dim3A_16 = vector.shape_cast %dot_general3A_13 : vector<1x2xf32> to vector<1x2xf32>
    %broadcast_in_dim3A_17 = vector.broadcast %broadcast_in_dim3A_16 : vector<1x2xf32> to vector<4096x2xf32>
    %select_n3A = arith.select %eq3A_15, %broadcast_in_dim3A_17, %dot_general3A_11 : vector<4096x2xi1>, vector<4096x2xf32>
    %get3A_18 = arith.constant 0 : index
    %get3A_19 = vector.load %arg3[%get3A_18] : memref<2xf32, #tpu.memory_space<vmem>>, vector<2xf32>
    %broadcast_in_dim3A_20 = vector.shape_cast %get3A_19 : vector<2xf32> to vector<1x2xf32>
    %add3A_21 = vector.broadcast %broadcast_in_dim3A_20 : vector<1x2xf32> to vector<4096x2xf32>
    %add3A_22 = arith.addf %select_n3A, %add3A_21 : vector<4096x2xf32>
    %swap3A = arith.constant 0 : index
    %swap3A_23 = arith.constant 0 : index
    %swap3A_24 = vector.load %arg4[%swap3A, %swap3A_23] : memref<4096x2xf32, #tpu.memory_space<vmem>>, vector<4096x2xf32>
    tpu.vector_store %arg4[%swap3A, %swap3A_23], %add3A_22 {strides = array<i32>} : memref<4096x2xf32, #tpu.memory_space<vmem>>, vector<4096x2xf32>,
    return
  }
}

</mosaic_0001>

<sc_bundles>
// kernel: kernel.4.cloned.1.call-start
scs
__scs_entry_jumppad:
0x0: {  	(pc) =	sbr.rel $0x88, $3  }
0x1: {  	(tag) =	ssettag $0x0;
	lr =	simm.s32 $0x1  }
0x2: {  	[smem:$0x3F9D] =	sst lr;
	_ =	strace $0xD0000000  }
0x3: {  	_ = 	snop  }
0x4: {  	_ = 	snop  }
0x5: {  	_ = 	snop  }
0x6: {  	_ = 	snop  }
0x7: {  	_ = 	snop  }
__scs_overlays_trampoline_lowered:
0x8: {  	[smem:$0x3FAC] =	sst s0  }
0x9: {  	[smem:$0x3FAD] =	sst s1  }
0xa: {  	[smem:$0x3FAE] =	sst s2  }
0xb: {  	[smem:$0x3FAF] =	sst s3  }
0xc: {  	[smem:$0x3FB0] =	sst s4  }
0xd: {  	[smem:$0x3FB1] =	sst s5  }
0xe: {  	[smem:$0x3FB2] =	sst s6  }
0xf: {  	[smem:$0x3FB3] =	sst s7  }
0x10: {  	[smem:$0x3FB4] =	sst s8  }
0x11: {  	[smem:$0x3FB5] =	sst s9;
	s0 =	simm.s32 @!p0 $0x0  }
0x12: {  	s1 =	sld [smem:$0x3F9B];
	s0 =	simm.s32 @p0 $0x1  }
0x13: {  	[smem:$0x3FB6] =	sst s0;
	s0 =	simm.s32 @!p1 $0x0  }
0x14: {  	s2 =	sld [smem:$0x3F9A];
	s0 =	simm.s32 @p1 $0x1  }
0x15: {  	[smem:$0x3FB7] =	sst s0;
	s0 =	simm.s32 @!p2 $0x0  }
0x16: {  	s3 =	sld [smem:$0x3FDB];
	s0 =	simm.s32 @p2 $0x1  }
0x17: {  	s4 =	simm.s32 $0x1BF5;
	[smem:$0x3FB9] =	sst s0  }
0x18: {  	s0 =	sld [smem:$0x3F9C];
	_ =	swait.ge [sflag:s4], $0x0  }
0x19: {  	s7 =	sld [smem:$0x3F9D]  }
0x1a: {  	s8 =	sadd.s32 $0xFFFFE003, lr  }
0x1b: {  	s9 =	sadd.s32 $0xFFFFFEF7, lr;
	s5 =	simm.s32 $0xFFFFFFFF;
	p2 =	slt.u32 s8, $0xFFFFF086  }
0x1c: {  	p1 =	slt.u32 s9, $0xF7A;
	s5 =	simm.s32 @!p2 $0x0  }
0x1d: {  	s5 =	simm.s32 @p1 $0x1;
	p0 =	seq.s32 s7, s2  }
0x1e: {  	s7 =	smul.u32 @!p0 $0xF7A, s2;
	p2 =	seq.s32 @!p0 s5, $0x0  }
0x1f: {  	s9 =	smul.u32 $0xF7A, s1;
	s8 =	simm.s32 @!p0 $0x1BF5;
	p2 =	por !p2, p0  }
0x20: {  	[sflag:s8] =	ssyncset.s32 @!p0 $0xFFFFF086;
	s6 =	sadd.s32 @!p0 s3, s7;
	s7 =	simm.s32 @!p0 $0x108  }
0x21: {  	s3 =	sadd.s32 s3, s9;
	s6 =	sadd.s32 @!p0 $0x88, s6;
	s7 =	simm.s32 @p2 $0x1082  }
0x22: {  	[simem:s7], [sflag:s8] =	dma.local @!p0 [hbm:s6], $0xF7A  }
0x23: {  	s9 =	sor.u32 $0xD0000000, s2;
	s6 =	simm.s32 $0x108;
	_ =	swait.ge @!p0 [sflag:s8], $0x0  }
0x24: {  	s3 =	sadd.s32 $0x88, s3;
	s6 =	simm.s32 @!p1 $0x1082;
	[sflag:s4] =	ssyncset.s32 $0xFFFFF086  }
0x25: {  	[simem:s6], [sflag:s4] =	dma.local [hbm:s3], $0xF7A  }
0x26: {  	[smem:$0x3F9D] =	sst s1;
	(tag) =	ssettag s2;
	_ =	strace s9  }
0x27: {  	s1 =	sld [smem:$0x3FAD]  }
0x28: {  	s2 =	sld [smem:$0x3FAE]  }
0x29: {  	s4 =	sld [smem:$0x3FB0]  }
0x2a: {  	p0 =	seq.s32 s5, $0x0;
	s5 =	sld [smem:$0x3FB1]  }
0x2b: {  	s6 =	sld [smem:$0x3FB2]  }
0x2c: {  	s7 =	sld [smem:$0x3FB3]  }
0x2d: {  	s3 =	simm.s32 $0x108;
	s8 =	sld [smem:$0x3FB4]  }
0x2e: {  	s3 =	simm.s32 @!p0 $0x1082;
	s9 =	sld [smem:$0x3FB5]  }
0x2f: {  	lr =	sadd.s32 s0, s3;
	s0 =	sld [smem:$0x3FAC]  }
0x30: {  	s3 =	sld [smem:$0x3FAF]  }
0x31: {  	[smem:$0x3FB8] =	sst s10  }
0x32: {  	s10 =	sld [smem:$0x3FB6];
	_ =	sdelay $0x3  }
0x33: {  	p0 =	seq.s32 s10, $0x1;
	s10 =	sld [smem:$0x3FB8];
	_ =	sdelay $0x3  }
0x34: {  	[smem:$0x3FB8] =	sst s10  }
0x35: {  	s10 =	sld [smem:$0x3FB7];
	_ =	sdelay $0x3  }
0x36: {  	p1 =	seq.s32 s10, $0x1;
	s10 =	sld [smem:$0x3FB8];
	_ =	sdelay $0x3  }
0x37: {  	[smem:$0x3FB8] =	sst s10  }
0x38: {  	s10 =	sld [smem:$0x3FB9]  }
0x39: {  	_ = 	snop;
	(pc) =	sbr.ind lr, $3  }
0x3a: {  	_ = 	snop  }
0x3b: {  	_ = 	snop  }
0x3c: {  	p2 =	seq.s32 s10, $0x1;
	s10 =	sld [smem:$0x3FB8]  }
0x3d: {  	_ =	shalt  }
0x3e: {  	_ =	shalt  }
0x3f: {  	_ =	shalt  }
0x40: {  	_ =	shalt  }
0x41: {  	_ =	shalt  }
0x42: {  	_ =	shalt  }
0x43: {  	_ =	shalt  }
0x44: {  	_ =	shalt  }
0x45: {  	_ =	shalt  }
0x46: {  	_ =	shalt  }
0x47: {  	_ =	shalt  }
0x48: {  	_ =	shalt  }
0x49: {  	_ =	shalt  }
0x4a: {  	_ =	shalt  }
0x4b: {  	_ =	shalt  }
0x4c: {  	_ =	shalt  }
0x4d: {  	_ =	shalt  }
0x4e: {  	_ =	shalt  }
0x4f: {  	_ =	shalt  }
0x50: {  	_ =	shalt  }
0x51: {  	_ =	shalt  }
0x52: {  	_ =	shalt  }
0x53: {  	_ =	shalt  }
0x54: {  	_ =	shalt  }
0x55: {  	_ =	shalt  }
0x56: {  	_ =	shalt  }
0x57: {  	_ =	shalt  }
0x58: {  	_ =	shalt  }
0x59: {  	_ =	shalt  }
0x5a: {  	_ =	shalt  }
0x5b: {  	_ =	shalt  }
0x5c: {  	_ =	shalt  }
0x5d: {  	_ =	shalt  }
0x5e: {  	_ =	shalt  }
0x5f: {  	_ =	shalt  }
0x60: {  	_ =	shalt  }
0x61: {  	_ =	shalt  }
0x62: {  	_ =	shalt  }
0x63: {  	_ =	shalt  }
0x64: {  	_ =	shalt  }
0x65: {  	_ =	shalt  }
0x66: {  	_ =	shalt  }
0x67: {  	_ =	shalt  }
0x68: {  	_ =	shalt  }
0x69: {  	_ =	shalt  }
0x6a: {  	_ =	shalt  }
0x6b: {  	_ =	shalt  }
0x6c: {  	_ =	shalt  }
0x6d: {  	_ =	shalt  }
0x6e: {  	_ =	shalt  }
0x6f: {  	_ =	shalt  }
0x70: {  	_ =	shalt  }
0x71: {  	_ =	shalt  }
0x72: {  	_ =	shalt  }
0x73: {  	_ =	shalt  }
0x74: {  	_ =	shalt  }
0x75: {  	_ =	shalt  }
0x76: {  	_ =	shalt  }
0x77: {  	_ =	shalt  }
0x78: {  	_ =	shalt  }
0x79: {  	_ =	shalt  }
0x7a: {  	_ =	shalt  }
0x7b: {  	_ =	shalt  }
0x7c: {  	_ =	shalt  }
0x7d: {  	_ =	shalt  }
0x7e: {  	_ =	shalt  }
0x7f: {  	_ =	shalt  }
0x80: {  	_ =	shalt  }
0x81: {  	_ =	shalt  }
0x82: {  	_ =	shalt  }
0x83: {  	_ =	shalt  }
0x84: {  	_ =	shalt  }
0x85: {  	_ =	shalt  }
0x86: {  	_ =	shalt  }
0x87: {  	_ =	shalt  }
.Lfunc_end0:
.L_simem_size_0:
called_computation_lowered:
.L_overlay_start_0:
0x88: {  	s2 =	sld [smem:$0x3FD9]  }
0x89: {  	s3 =	sld [smem:$0x3FFE];
	_ =	sdelay $0x1  }
0x8a: {  	s1 =	srdreg.scid  }
0x8b: {  	s0 =	sand.u32 $0x1, s1  }
0x8c: {  	s17 =	sshll.u32 s0, $0xA;
	s2 =	sadd.s32 s3, s2  }
0x8d: {  	s2 =	sadd.s32 s2, s17  }
0x8e: {  	[smem:$0x3FC4] =	sst s2  }
0x8f: {  	_ = 	snop  }
0x90: {  	s2 =	sld [smem:$0x3FC9]  }
0x91: {  	s18 =	sld [smem:$0x3FD0];
	(tm) =	ssettm $0x1  }
0x92: {  	s4 =	sld [smem:$0x3FFB];
	_ =	sdelay $0x3  }
0x93: {  	_ =	strace s4  }
0x94: {  	s4 =	sld [smem:$0x3FFC];
	_ =	sdelay $0x3  }
0x95: {  	_ =	strace s4  }
0x96: {  	s4 =	sld [smem:$0x3FFD];
	_ =	sdelay $0x3  }
0x97: {  	_ =	strace s4  }
0x98: {  	_ =	strace $0x8FFFFFFF  }
0x99: {  	s19 =	sld [smem:$0x3FDB];
	_ =	sdelay $0x1  }
0x9a: {  	s5 =	simm.s32 $_scs_section_size  }
0x9b: {  	s6 =	simm.s32 $_size__tile_overlayer_lowered;
	s7 =	simm.s32 $_tile_overlayer_lowered  }
0x9c: {  	s22 =	simm.s32 $0x1BFF;
	s21 =	sshll.u32 s7, $0x1;
	s4 =	sadd.s32 s5, s19  }
0x9d: {  	s8 =	simm.s32 $0x0;
	s20 =	sshll.u32 s6, $0x1;
	s6 =	sadd.s32 s21, s4  }
0x9e: {  	[timem:s8], [sflag:s22] =	dma.local [hbm:s6], s20  }
0x9f: {  	_ =	swait.ge [sflag:s22], s20  }
0xa0: {  	s5 =	ssub.s32 $0x0, s20;
	[sflag:s22] =	ssyncset.done $0x0  }
0xa1: {  	[sflag:s22] =	ssyncadd.s32 s5;
	_ =	sdelay $0x1  }
0xa2: {  	s23 =	simm.s32 $0x1B8B  }
0xa3: {  	_ =	swait.ge [sflag:s23], $0x1  }
0xa4: {  	[sflag:s23] =	ssyncset.done $0x0  }
0xa5: {  	s25 =	simm.s32 $0x1B8E;
	s24 =	sld [smem:$0x3FFE];
	[sflag:s23] =	ssyncadd.s32 $0xFFFFFFFF  }
0xa6: {  	s26 =	simm.s32 $execute0_lowered;
	[smem:$0x3FD2] =	sst s25  }
0xa7: {  	s6 =	sshll.u32 s26, $0x1;
	_ =	strace $0x80000046;
	[dreg:$0x1] =	wrdreg $0xFFFFFFFF  }
0xa8: {  	s28 =	simm.s32 $_size_execute0_lowered;
	s4 =	sadd.s32 s4, s6;
	[dreg:$0x0] =	wrdreg $0x0  }
0xa9: {  	s6 =	sshll.u32 s28, $0x1;
	[dreg:$0x2] =	wrdreg s4  }
0xaa: {  	[dreg:$0x3] =	wrdreg s6  }
0xab: {  	[dreg:$0x4] =	wrdreg $0xC0  }
0xac: {  	_ =	task [dreg:s8], $0x5FFFF  }
0xad: {  	[dreg:$0x1] =	wrdreg $0xFFFFFFFF  }
0xae: {  	[dreg:$0x0] =	wrdreg $0x60  }
0xaf: {  	[dreg:$0x2] =	wrdreg s2  }
0xb0: {  	[dreg:$0x3] =	wrdreg s24  }
0xb1: {  	[dreg:$0x4] =	wrdreg s18  }
0xb2: {  	[dreg:$0x5] =	wrdreg $0x9  }
0xb3: {  	_ =	task.clear_ibuf [dreg:s8], $0x6FFFF;
	_ =	strace $0x90000046  }
0xb4: {  	s29 =	simm.s32 $0x9;
	_ =	strace $0x80000048  }
0xb5: {  	_ =	swait.ge [sflag:s29], $0x1  }
0xb6: {  	[sflag:s29] =	ssyncadd.s32 $0xFFFFFFFF  }
0xb7: {  	_ =	strace $0x90000048  }
0xb8: {  	_ =	sfence  }
0xb9: {  	s30 =	sld [smem:$0x0];
	_ =	sdelay $0x2  }
0xba: {  	s31 =	sshll.u32 s1, $0xD;
	s1 =	sshrl.u32 s1, $0x2  }
0xbb: {  	s3 =	sand.u32 $0x4000, s31;
	s1 =	sadd.s32 s1, s30  }
0xbc: {  	s0 =	sor.u32 s3, s0;
	s1 =	sshll.u32 s1, $0x11  }
0xbd: {  	s0 =	sor.u32 s1, s0  }
0xbe: {  	s0 =	sadd.s32 $0x8F2B, s0  }
0xbf: {  	[sflag:s0] =	ssyncadd.remote.s32 $0x1  }
0xc0: {  	_ =	sfence.sel $0xFFFF  }
0xc1: {  	[dreg:$0x0] =	wrdreg $0xFFFFFFFF;
	(pc) =	sbr.abs _section_cstart, $3  }
0xc2: {  	[dreg:$0x1] =	wrdreg $0xFFFFFFFF  }
0xc3: {  	_ =	task.clear_ibuf [dreg:s8], $0x2FFFF;
	_ =	strace $0x9FFFFFFF  }
0xc4: {  	(tm) =	ssettm $0x7FFFFFFF  }
0xc5: {  	_ =	shalt  }
tec
execute0_lowered:
.L_overlay_start_1:
0x0: {  	(tag) =	ssettag $0x1  }
0x1: {  	s4 =	rddreg [dreg:$0x0]  }
0x2: {  	s5 =	rddreg [dreg:$0x1]  }
0x3: {  	s7 =	rddreg [dreg:$0x2]  }
0x4: {  	s0 =	rddreg [dreg:$0x3];
	s3 =	srdreg.scid  }
0x5: {  	s1 =	stileid.u32;
	s2 =	simm.s32 $0x0;
	s12 =	simm.s32 $0x70  }
0x6: {  	s13 =	simm.s32 $0x3900;
	s14 =	simm.s32 $0xF0;
	s15 =	simm.s32 $0x5500  }
0x7: {  	s16 =	simm.s32 $0x1;
	s17 =	simm.s32 $0x2;
	s18 =	simm.s32 $0x3  }
0x8: {  	s19 =	simm.s32 $0x7100;
	s20 =	simm.s32 $0x0;
	s6 =	sand.u32 $0x1, s3  }
0x9: {  	s28 =	sshll.u32 s1, $0x1;
	[smem:$0x7FF] =	sst s2;
	s3 =	sadd.s32 $0xF43000, s5  }
0xa: {  	s8 =	sor.u32 s6, s28;
	_ =	strace $0x80000047;
	s6 =	ssub.s32 $0x2, s6  }
0xb: {  	s9 =	smul.u32 $0x1880, s8;
	s10 =	sshll.u32 s8, $0xA;
	s29 =	sshrl.u32 s6, $0x1  }
.Ltmp0:
0xc: {  	s30 =	sshll.u32 s8, $0x4;
	s8 =	sshll.u32 s8, $0x3;
	(pc) =	sbr.rel .LBB2_1-.Ltmp0, $4  }
0xd: {  	s10 =	sadd.s32 s10, s5;
	s11 =	ssub.s32 s6, s29;
	s7 =	sadd.s32 s7, s8  }
0xe: {  	s9 =	sshrl.u32 s9, $0x3;
	s6 =	sadd.s32 $0xC00, s10;
	s8 =	smax.u32 s11, $0x1  }
0xf: {  	s10 =	simm.s32 $0x80;
	s11 =	simm.s32 $0x1900;
	s31 =	sadd.s32 s4, s9  }
0x10: {  	v0 =	vimm.f32 $0.0e+00;
	s4 =	sadd.s32 s4, s30;
	s9 =	simm.s32 $0x4;
	s5 =	sadd.s32 $0x200, s31  }
.LBB2_8:
0x11: {  	s20 =	sadd.s32 $0x1, s20  }
0x12: {  	p0 =	sne.s32 s20, s8  }
.Ltmp1:
0x13: {  	_ = 	snop;
	(pc) =	sbr.rel @!p0 .LBB2_9-.Ltmp1, $4  }
0x14: {  	[hbm4b:s7+s2] =	stream.linear.scatter [tilespmem:s19], [sflag:$0x4], $0x40, $0x38;
	[tilespmem:$0x7140] =	vst v63  }
0x15: {  	_ =	swait.ge [sflag:s9], $0x40  }
0x16: {  	[sflag:s9] =	ssyncset.done $0x0  }
0x17: {  	[sflag:s9] =	ssyncadd.s32 $0xFFFFFFC0  }
.LBB2_1:
0x18: {  	[tilespmem:s2], [sflag:$0x4] =	stream.linear.gather [hbm4b:s4+s2], $0x80, $0x38;
	[tilespmem:$0x7140] =	vst v63  }
0x19: {  	_ =	swait.ge [sflag:s9], $0x80  }
0x1a: {  	[sflag:s9] =	ssyncset.done $0x0  }
0x1b: {  	[sflag:s9] =	ssyncadd.s32 $0xFFFFFF80  }
0x1c: {  	[tilespmem:s11], [sflag:$0x1] =	stream.indirect.gather [hbm4b:s3+s10], $0x40, s2, s10, $0xb8;
	[tilespmem:$0x7140] =	vst v63  }
0x1d: {  	_ = 	snop  }
0x1e: {  	[tilespmem:s10], [sflag:$0x4] =	stream.linear.gather [hbm4b:s5+s2], $0x1880, $0x38;
	[tilespmem:$0x7140] =	vst v63  }
0x1f: {  	_ =	swait.ge [sflag:s9], $0x1880  }
0x20: {  	[sflag:s9] =	ssyncset.done $0x0  }
0x21: {  	[sflag:s9] =	ssyncadd.s32 $0xFFFFE780  }
0x22: {  	[tilespmem:s13], [sflag:$0x2] =	stream.indirect.gather [hbm4b:s3+s12], $0x40, s10, s12, $0xb8;
	[tilespmem:$0x7140] =	vst v63  }
0x23: {  	_ = 	snop  }
0x24: {  	[tilespmem:s15], [sflag:$0x3] =	stream.indirect.gather [hbm4b:s3+s12], $0x40, s14, s12, $0xb8;
	[tilespmem:$0x7140] =	vst v63  }
0x25: {  	_ =	swait.ge [sflag:s16], $0x2000  }
0x26: {  	[sflag:s16] =	ssyncset.done $0x0  }
0x27: {  	[sflag:s16] =	ssyncadd.s32 $0xFFFFE000  }
0x28: {  	[hbm4b:s6+s2] =	stream.linear.scatter [tilespmem:s11], [sflag:$0x4], $0x2000, $0x38;
	[tilespmem:$0x7140] =	vst v63  }
0x29: {  	_ =	swait.ge [sflag:s9], $0x2000  }
0x2a: {  	[sflag:s9] =	ssyncset.done $0x0  }
0x2b: {  	[sflag:s9] =	ssyncadd.s32 $0xFFFFE000  }
0x2c: {  	[tilespmem:$0x7100] =	vst v0  }
0x2d: {  	[tilespmem:$0x7110] =	vst v0  }
0x2e: {  	[tilespmem:$0x7120] =	vst v0  }
0x2f: {  	s21 =	simm.s32 $0x0;
	[tilespmem:$0x7130] =	vst v0  }
.LBB2_2:
0x30: {  	_ =	swait.ge [sflag:s17], $0x1C00  }
0x31: {  	[sflag:s17] =	ssyncset.done $0x0  }
0x32: {  	[sflag:s17] =	ssyncadd.s32 $0xFFFFE400  }
0x33: {  	v3 =	vld [tilespmem:$0x7100]  }
0x34: {  	v4 =	vld [tilespmem:$0x7110]  }
0x35: {  	v2 =	vld [tilespmem:$0x7120]  }
0x36: {  	s23 =	simm.s32 $0x0;
	v1 =	vld [tilespmem:$0x7130]  }
0x37: {  	v5 =	vld [tilespmem:s23+$0x3930]  }
0x38: {  	v6 =	vld [tilespmem:s23+$0x3900]  }
0x39: {  	v7 =	vld [tilespmem:s23+$0x3910]  }
0x3a: {  	s22 =	simm.s32 $0x100;
	v8 =	vld [tilespmem:s23+$0x3920]  }
.LBB2_3:
0x3b: {  	p0 =	sne.s32 s22, $0x6F00  }
.Ltmp2:
0x3c: {  	s23 =	sshra.s32 s22, $0x2;
	s22 =	sadd.s32 $0x100, s22;
	v1 =	vadd.f32 v5, v1;
	(pc) =	sbr.rel @p0 .LBB2_3-.Ltmp2, $4  }
0x3d: {  	v5 =	vld [tilespmem:s23+$0x3930];
	v3 =	vadd.f32 v6, v3  }
0x3e: {  	v6 =	vld [tilespmem:s23+$0x3900];
	v4 =	vadd.f32 v7, v4  }
0x3f: {  	v7 =	vld [tilespmem:s23+$0x3910];
	v2 =	vadd.f32 v8, v2  }
0x40: {  	v8 =	vld [tilespmem:s23+$0x3920]  }
0x41: {  	_ = 	snop  }
0x42: {  	v1 =	vadd.f32 v5, v1  }
0x43: {  	p0 =	seq.s32 s21, $0x1B;
	v3 =	vadd.f32 v6, v3  }
0x44: {  	s22 =	smul.u32 @!p0 $0x380, s21;
	v4 =	vadd.f32 v7, v4;
	[tilespmem:$0x7130] =	vst v1  }
0x45: {  	v2 =	vadd.f32 v8, v2;
	[tilespmem:$0x7100] =	vst v3  }
0x46: {  	s22 =	sshra.s32 @!p0 s22, $0x2;
	[tilespmem:$0x7110] =	vst v4  }
0x47: {  	s23 =	simm.s32 @!p0 $0x70;
	s24 =	simm.s32 @!p0 $0x3900;
	s22 =	sadd.s32 @!p0 $0x160, s22;
	[tilespmem:$0x7120] =	vst v2  }
0x48: {  	[tilespmem:s24], [sflag:$0x2] =	stream.indirect.gather @!p0 [hbm4b:s3+s23], $0x40, s22, s23, $0xb8;
	[tilespmem:$0x7140] =	vst v63  }
0x49: {  	_ =	swait.ge [sflag:s18], $0x1C00  }
0x4a: {  	[sflag:s18] =	ssyncset.done $0x0  }
0x4b: {  	[sflag:s18] =	ssyncadd.s32 $0xFFFFE400  }
0x4c: {  	v2 =	vld [tilespmem:$0x7100]  }
0x4d: {  	v3 =	vld [tilespmem:$0x7110]  }
0x4e: {  	v4 =	vld [tilespmem:$0x7120]  }
0x4f: {  	s31 =	simm.s32 $0x0;
	v1 =	vld [tilespmem:$0x7130]  }
0x50: {  	v5 =	vld [tilespmem:s31+$0x5530]  }
0x51: {  	v6 =	vld [tilespmem:s31+$0x5500]  }
0x52: {  	v7 =	vld [tilespmem:s31+$0x5510]  }
0x53: {  	s22 =	simm.s32 $0x100;
	v8 =	vld [tilespmem:s31+$0x5520]  }
.LBB2_5:
0x54: {  	p1 =	sne.s32 s22, $0x6F00  }
.Ltmp3:
0x55: {  	s23 =	sshra.s32 s22, $0x2;
	s22 =	sadd.s32 $0x100, s22;
	v1 =	vadd.f32 v5, v1;
	(pc) =	sbr.rel @p1 .LBB2_5-.Ltmp3, $4  }
0x56: {  	v5 =	vld [tilespmem:s23+$0x5530];
	v2 =	vadd.f32 v6, v2  }
0x57: {  	v6 =	vld [tilespmem:s23+$0x5500];
	v3 =	vadd.f32 v7, v3  }
0x58: {  	v7 =	vld [tilespmem:s23+$0x5510];
	v4 =	vadd.f32 v8, v4  }
0x59: {  	v8 =	vld [tilespmem:s23+$0x5520]  }
0x5a: {  	_ = 	snop  }
0x5b: {  	v1 =	vadd.f32 v5, v1  }
.Ltmp4:
0x5c: {  	v2 =	vadd.f32 v6, v2;
	(pc) =	sbr.rel @p0 .LBB2_8-.Ltmp4, $4  }
0x5d: {  	v3 =	vadd.f32 v7, v3;
	[tilespmem:$0x7130] =	vst v1  }
0x5e: {  	v4 =	vadd.f32 v8, v4;
	[tilespmem:$0x7100] =	vst v2  }
0x5f: {  	[tilespmem:$0x7110] =	vst v3  }
0x60: {  	[tilespmem:$0x7120] =	vst v4  }
0x61: {  	s22 =	smul.u32 $0x380, s21  }
.Ltmp5:
0x62: {  	_ = 	snop;
	(pc) =	sbr.rel .LBB2_2-.Ltmp5, $4  }
0x63: {  	_ = 	snop  }
0x64: {  	s22 =	sshra.s32 s22, $0x2  }
0x65: {  	s21 =	sadd.s32 $0x1, s21;
	s22 =	sadd.s32 $0x1D0, s22  }
0x66: {  	[tilespmem:s15], [sflag:$0x3] =	stream.indirect.gather [hbm4b:s3+s12], $0x40, s22, s12, $0xb8;
	[tilespmem:$0x7140] =	vst v63  }
.LBB2_9:
0x67: {  	_ =	sfence.sel $0x180000  }
0x68: {  	[bflag:$0x0] =	sbarrier.arrive $0xFFFF  }
0x69: {  	p0 =	sne.s32 s1, $0x0;
	_ =	strace $0x90000047  }
0x6a: {  	s0 =	sadd.s32 @!p0 $0x100000, s0;
	[bflag:$0x2] =	sbarrier.arrive $0xFFFF  }
0x6b: {  	[sflag:s0] =	ssyncadd.tile.s32 @!p0 $0x1;
	_ =	shalt  }
.Lfunc_end2:
_tile_overlayer_lowered:
.L_overlay_start_2:
0x6c: {  	(tag) =	ssettag $0x2  }
0x6d: {  	s0 =	rddreg [dreg:$0x0];
	s2 =	stileid.u32  }
0x6e: {  	s1 =	rddreg [dreg:$0x1];
	p0 =	sne.s32 s2, $0x0  }
0x6f: {  	s3 =	rddreg [dreg:$0x2];
	[bflag:$0x3] =	sbarrier.arrive $0xFFFF;
	s2 =	simm.s32 @!p0 $0x1C04  }
0x70: {  	[timem:s3], [sflag:s2] =	dma.local @!p0 [hbm:s0], s1  }
0x71: {  	s0 =	simm.s32 @!p0 $0x4  }
0x72: {  	_ =	swait.ge @!p0 [sflag:s0], s1  }
0x73: {  	s1 =	ssub.s32 @!p0 $0x0, s1;
	[sflag:s0] =	ssyncset.done @!p0 $0x0  }
0x74: {  	[sflag:s0] =	ssyncadd.s32 @!p0 s1  }
0x75: {  	[bflag:$0x3] =	sbarrier.arrive $0xFFFF  }
0x76: {  	_ =	shalt  }

</sc_bundles>
